<compile_context>
chip_gen: v7x
topology: tpu7x:2x2x1
jax: 0.10.2.dev20260603
libtpu: 0.0.44.dev20260713+nightly
codegen_flags: <defaults>
</compile_context>

<pallas_src>
import jax
import jax.numpy as jnp
from jax.experimental import pallas as pl
from jax.experimental.pallas import tpu as pltpu

_N = 8192
_D = 512
_B = 512
_NB = _N // _B
_T = _NB * _NB
_TOPK = 10


def _rank_kernel(e_ref, lr_ref, lc_ref, lb_ref, out_ref,
                 embn_ref, strip_ref, m_ref):
    t = pl.program_id(0)
    tp = jnp.maximum(t - 1, 0)
    pi = tp // _NB
    pj = tp % _NB
    ci = jnp.minimum(t // _NB, _NB - 1)
    cj = t % _NB
    neg = jnp.float32(-jnp.inf)

    @pl.when(t == 0)
    def _():
        def nbody(k, carry):
            e = e_ref[pl.ds(k * _B, _B), :]
            ss = jnp.sum(e * e, axis=1, keepdims=True)
            embn_ref[pl.ds(k * _B, _B), :] = (
                e / (jnp.sqrt(ss) + 1e-12)).astype(jnp.bfloat16)
            return carry

        jax.lax.fori_loop(0, _NB, nbody, 0)

    s = jax.lax.dot_general(
        embn_ref[pl.ds(ci * _B, _B), :], embn_ref[pl.ds(cj * _B, _B), :],
        (((1,), (1,)), ((), ())),
        preferred_element_type=jnp.float32,
    )

    @pl.when(pj == 0)
    def _():
        m_ref[...] = jnp.full((_B, 1), neg, jnp.float32)

    ranges_overlap = jnp.logical_and(lb_ref[0, pi] <= lb_ref[1, pj],
                                     lb_ref[0, pj] <= lb_ref[1, pi])

    @pl.when(ranges_overlap)
    def _():
        sp = strip_ref[pj]
        match = lr_ref[pi] == lc_ref[pj]
        mblk = jnp.max(jnp.where(match, sp, neg), axis=1, keepdims=True)
        m_ref[...] = jnp.maximum(m_ref[...], mblk)

    @pl.when(jnp.logical_and(pj == _NB - 1, t > 0))
    def _():
        m = m_ref[...]

        def body(jj, acc):
            blk = strip_ref[jj]
            return acc + jnp.sum((blk > m).astype(jnp.int32), axis=1,
                                 keepdims=True)

        c = jax.lax.fori_loop(0, _NB, body,
                              jnp.zeros((_B, 1), jnp.int32))
        ks = jax.lax.broadcasted_iota(jnp.int32, (_B, 128), 1)
        contrib = jnp.sum((c <= ks).astype(jnp.float32), axis=0,
                          keepdims=True)

        @pl.when(pi == 0)
        def _():
            out_ref[...] = contrib

        @pl.when(pi > 0)
        def _():
            out_ref[...] = out_ref[...] + contrib

    @pl.when(jnp.logical_and(t < _T, ci != cj))
    def _():
        strip_ref[cj] = s

    @pl.when(jnp.logical_and(t < _T, ci == cj))
    def _():
        r_iota = jax.lax.broadcasted_iota(jnp.int32, (_B, _B), 0)
        c_iota = jax.lax.broadcasted_iota(jnp.int32, (_B, _B), 1)
        strip_ref[cj] = jnp.where(r_iota == c_iota, neg, s)


def kernel(embeddings, labels):
    labels = labels.astype(jnp.int32)
    order = jnp.argsort(labels)
    labels_s = labels[order]
    emb_s = embeddings[order]
    lab2 = labels_s.reshape(_NB, _B)
    lb = jnp.stack([lab2[:, 0], lab2[:, -1]])
    lab_r = labels_s.reshape(_NB, _B, 1)
    lab_c = labels_s.reshape(_NB, 1, _B)
    out = pl.pallas_call(
        _rank_kernel,
        grid=(_T + 1,),
        in_specs=[
            pl.BlockSpec((_N, _D), lambda t: (0, 0)),
            pl.BlockSpec((_NB, _B, 1), lambda t: (0, 0, 0)),
            pl.BlockSpec((_NB, 1, _B), lambda t: (0, 0, 0)),
            pl.BlockSpec(memory_space=pltpu.SMEM),
        ],
        out_specs=pl.BlockSpec((1, 128), lambda t: (0, 0)),
        out_shape=jax.ShapeDtypeStruct((1, 128), jnp.float32),
        scratch_shapes=[
            pltpu.VMEM((_N, _D), jnp.bfloat16),
            pltpu.VMEM((_NB, _B, _B), jnp.float32),
            pltpu.VMEM((_B, 1), jnp.float32),
        ],
    )(emb_s, lab_r, lab_c, lb)
    return out[0, :_TOPK] * jnp.float32(1.0 / _N)

# --- scband reference (transcript-rebuilt; emitter-appended) ---
"""Pipeline reference for scband-accuracy-metric-82334523064328 (READ-ONLY COPY).

The authoritative reference and input builder live on the scoring server;
editing this copy changes nothing except your own understanding.
"""

import jax, jax.numpy as jnp
import numpy as np

N = 8192
D = 512
NUM_CLASSES = 500
TOPK = 10


def setup_inputs(seed: int = 0) -> dict:
    key = jax.random.key(seed)
    k1, k2 = jax.random.split(key)
    embeddings = jax.random.normal(k1, (N, D), dtype=jnp.float32)
    labels = jax.random.randint(k2, (N,), 0, NUM_CLASSES, dtype=jnp.int64)
    return {"embeddings": embeddings, "labels": labels}


def reference(embeddings, labels):
    # similarity callable == pairwise cosine similarity over the batch
    norm = jnp.linalg.norm(embeddings, axis=1, keepdims=True)
    emb = embeddings / (norm + 1e-12)
    sim = emb @ emb.T  # [N, N]
    n = sim.shape[0]
    # diagonal_scatter with -inf: exclude self-match
    diag = jnp.arange(n)
    sim = sim.at[diag, diag].set(-jnp.inf)
    # ground-truth same-label matrix
    gt_similarity = labels[None, :] == labels[:, None]  # [N, N] bool
    # top-10 neighbors per row
    _values, indices = jax.lax.top_k(sim, TOPK)  # [N, 10]
    is_correct_at_k = gt_similarity[jnp.arange(n)[:, None], indices]  # [N, 10]
    is_correct_up_to_k = jnp.cumsum(is_correct_at_k.astype(jnp.int32), axis=1) > 0
    return is_correct_up_to_k.astype(jnp.float32).mean(axis=0)  # [10] recall@1..10

if __name__ == "__main__":
    import jax
    _d = setup_inputs()
    print(jax.jit(kernel)(*tuple(_d.values())))

</pallas_src>

<mosaic_0001>
module attributes {stable_mosaic.version = 14 : i64} {
  func.func @_rank_kernel(%arg0: i32, %arg1: memref<8192x512xf32, #tpu.memory_space<vmem>>, %arg2: memref<16x512x1xi32, #tpu.memory_space<vmem>>, %arg3: memref<16x1x512xi32, #tpu.memory_space<vmem>>, %arg4: memref<2x16xi32, #tpu.memory_space<smem>>, %arg5: memref<1x128xf32, #tpu.memory_space<vmem>>, %arg6: memref<8192x512xbf16, #tpu.memory_space<vmem>>, %arg7: memref<16x512x512xf32, #tpu.memory_space<vmem>>, %arg8: memref<512x1xf32, #tpu.memory_space<vmem>>) attributes {dimension_semantics = [#tpu.dimension_semantics<arbitrary>], iteration_bounds = array<i64: 257>, scalar_prefetch = 0 : i64, scratch_operands = 3 : i64, tpu.core_type = #tpu.core_type<tc>, window_params = [{pipeline_mode = #tpu.pipeline_mode<synchronous>, transform_indices = @transform_0, window_bounds = array<i64: 8192, 512>}, {pipeline_mode = #tpu.pipeline_mode<synchronous>, transform_indices = @transform_1, window_bounds = array<i64: 16, 512, 1>}, {pipeline_mode = #tpu.pipeline_mode<synchronous>, transform_indices = @transform_2, window_bounds = array<i64: 16, 1, 512>}, {transform_indices = @transform_3, window_bounds = array<i64: 2, 16>}, {pipeline_mode = #tpu.pipeline_mode<synchronous>, transform_indices = @transform_4, window_bounds = array<i64: 1, 128>}]} {
    %sub3A = arith.constant 1 : i32
    %sub3A_0 = arith.subi %arg0, %sub3A : i32
    %max3A = arith.constant 0 : i32
    %max3A_1 = arith.maxsi %sub3A_0, %max3A : i32
    %jit3A = arith.constant 16 : i32
    %div3A = arith.divsi %max3A_1, %jit3A : i32
    %sign3A = arith.constant 0 : i32
    %sign3A_2 = arith.cmpi sgt, %max3A_1, %sign3A : i32
    %sign3A_3 = arith.extui %sign3A_2 : i1 to i32
    %sign3A_4 = arith.constant 0 : i32
    %sign3A_5 = arith.cmpi slt, %max3A_1, %sign3A_4 : i32
    %sign3A_6 = arith.extui %sign3A_5 : i1 to i32
    %sign3A_7 = arith.subi %sign3A_3, %sign3A_6 : i32
    %sign3A_8 = arith.constant 0 : i32
    %sign3A_9 = arith.cmpi sgt, %jit3A, %sign3A_8 : i32
    %sign3A_10 = arith.extui %sign3A_9 : i1 to i32
    %sign3A_11 = arith.constant 0 : i32
    %sign3A_12 = arith.cmpi slt, %jit3A, %sign3A_11 : i32
    %sign3A_13 = arith.extui %sign3A_12 : i1 to i32
    %sign3A_14 = arith.subi %sign3A_10, %sign3A_13 : i32
    %ne3A = arith.cmpi ne, %sign3A_7, %sign3A_14 : i32
    %rem3A = arith.remsi %max3A_1, %jit3A : i32
    %ne3A_15 = arith.constant 0 : i32
    %ne3A_16 = arith.cmpi ne, %rem3A, %ne3A_15 : i32
    %and3A = arith.andi %ne3A, %ne3A_16 : i1
    %sub3A_17 = arith.constant 1 : i32
    %sub3A_18 = arith.subi %div3A, %sub3A_17 : i32
    %select_n3A = arith.select %and3A, %sub3A_18, %div3A : i32
    %jit3A_19 = arith.constant 16 : i32
    %eq3A = arith.constant 0 : i32
    %eq3A_20 = arith.cmpi eq, %jit3A_19, %eq3A : i32
    %jit3A_21 = arith.constant 1 : i32
    %select_n3A_22 = arith.select %eq3A_20, %jit3A_21, %jit3A_19 : i32
    %rem3A_23 = arith.remsi %max3A_1, %select_n3A_22 : i32
    %ne3A_24 = arith.constant 0 : i32
    %ne3A_25 = arith.cmpi ne, %rem3A_23, %ne3A_24 : i32
    %lt3A = arith.constant 0 : i32
    %lt3A_26 = arith.cmpi slt, %rem3A_23, %lt3A : i32
    %lt3A_27 = arith.constant 0 : i32
    %lt3A_28 = arith.cmpi slt, %select_n3A_22, %lt3A_27 : i32
    %ne3A_29 = arith.xori %lt3A_26, %lt3A_28 : i1
    %and3A_30 = arith.andi %ne3A_29, %ne3A_25 : i1
    %add3A = arith.addi %rem3A_23, %select_n3A_22 : i32
    %select_n3A_31 = arith.select %and3A_30, %add3A, %rem3A_23 : i32
    %jit3A_32 = arith.constant 16 : i32
    %div3A_33 = arith.divsi %arg0, %jit3A_32 : i32
    %sign3A_34 = arith.constant 0 : i32
    %sign3A_35 = arith.cmpi sgt, %arg0, %sign3A_34 : i32
    %sign3A_36 = arith.extui %sign3A_35 : i1 to i32
    %sign3A_37 = arith.constant 0 : i32
    %sign3A_38 = arith.cmpi slt, %arg0, %sign3A_37 : i32
    %sign3A_39 = arith.extui %sign3A_38 : i1 to i32
    %sign3A_40 = arith.subi %sign3A_36, %sign3A_39 : i32
    %sign3A_41 = arith.constant 0 : i32
    %sign3A_42 = arith.cmpi sgt, %jit3A_32, %sign3A_41 : i32
    %sign3A_43 = arith.extui %sign3A_42 : i1 to i32
    %sign3A_44 = arith.constant 0 : i32
    %sign3A_45 = arith.cmpi slt, %jit3A_32, %sign3A_44 : i32
    %sign3A_46 = arith.extui %sign3A_45 : i1 to i32
    %sign3A_47 = arith.subi %sign3A_43, %sign3A_46 : i32
    %ne3A_48 = arith.cmpi ne, %sign3A_40, %sign3A_47 : i32
    %rem3A_49 = arith.remsi %arg0, %jit3A_32 : i32
    %ne3A_50 = arith.constant 0 : i32
    %ne3A_51 = arith.cmpi ne, %rem3A_49, %ne3A_50 : i32
    %and3A_52 = arith.andi %ne3A_48, %ne3A_51 : i1
    %sub3A_53 = arith.constant 1 : i32
    %sub3A_54 = arith.subi %div3A_33, %sub3A_53 : i32
    %select_n3A_55 = arith.select %and3A_52, %sub3A_54, %div3A_33 : i32
    %min3A = arith.constant 15 : i32
    %min3A_56 = arith.minsi %select_n3A_55, %min3A : i32
    %jit3A_57 = arith.constant 16 : i32
    %eq3A_58 = arith.constant 0 : i32
    %eq3A_59 = arith.cmpi eq, %jit3A_57, %eq3A_58 : i32
    %jit3A_60 = arith.constant 1 : i32
    %select_n3A_61 = arith.select %eq3A_59, %jit3A_60, %jit3A_57 : i32
    %rem3A_62 = arith.remsi %arg0, %select_n3A_61 : i32
    %ne3A_63 = arith.constant 0 : i32
    %ne3A_64 = arith.cmpi ne, %rem3A_62, %ne3A_63 : i32
    %lt3A_65 = arith.constant 0 : i32
    %lt3A_66 = arith.cmpi slt, %rem3A_62, %lt3A_65 : i32
    %lt3A_67 = arith.constant 0 : i32
    %lt3A_68 = arith.cmpi slt, %select_n3A_61, %lt3A_67 : i32
    %ne3A_69 = arith.xori %lt3A_66, %lt3A_68 : i1
    %and3A_70 = arith.andi %ne3A_69, %ne3A_64 : i1
    %add3A_71 = arith.addi %rem3A_62, %select_n3A_61 : i32
    %select_n3A_72 = arith.select %and3A_70, %add3A_71, %rem3A_62 : i32
    %eq3A_73 = arith.constant 0 : i32
    %eq3A_74 = arith.cmpi eq, %arg0, %eq3A_73 : i32
    %convert_element_type3A = arith.extui %eq3A_74 : i1 to i32
    %cond3A = arith.constant 0 : i32
    %cond3A_75 = arith.cmpi ne, %convert_element_type3A, %cond3A : i32
    scf.if %cond3A_75 {
      %scan3A = arith.constant 0 : i32
      %scan3A_131 = arith.constant 16 : i32
      %scan3A_132 = arith.addi %scan3A, %scan3A_131 : i32
      %scan3A_133 = arith.constant 1 : i32
      scf.for %scan3A_135 = %scan3A to %scan3A_132 step %scan3A_133  : i32 {
        %mul3A_136 = arith.constant 512 : i32
        %mul3A_137 = arith.muli %scan3A_135, %mul3A_136 : i32
        %get3A_138 = arith.index_cast %mul3A_137 : i32 to index
        %get3A_139 = arith.constant 0 : index
        %get3A_140 = vector.load %arg1[%get3A_138, %get3A_139] : memref<8192x512xf32, #tpu.memory_space<vmem>>, vector<512x512xf32>
        %mul3A_141 = arith.mulf %get3A_140, %get3A_140 : vector<512x512xf32>
        %reduce_sum3A = arith.constant dense<0.000000e+00> : vector<512xf32>
        %reduce_sum3A_142 = vector.multi_reduction <add>, %mul3A_141, %reduce_sum3A [1] : vector<512x512xf32> to vector<512xf32>
        %broadcast_in_dim3A = vector.shape_cast %reduce_sum3A_142 : vector<512xf32> to vector<512x1xf32>
        %sqrt3A = math.sqrt %broadcast_in_dim3A : vector<512x1xf32>
        %add3A_143 = arith.constant 9.99999996E-13 : f32
        %add3A_144 = vector.broadcast %add3A_143 : f32 to vector<512x1xf32>
        %add3A_145 = arith.addf %sqrt3A, %add3A_144 : vector<512x1xf32>
        %div3A_146 = vector.broadcast %add3A_145 : vector<512x1xf32> to vector<512x512xf32>
        %div3A_147 = arith.divf %get3A_140, %div3A_146 : vector<512x512xf32>
        %convert_element_type3A_148 = arith.truncf %div3A_147 : vector<512x512xf32> to vector<512x512xbf16>
        %mul3A_149 = arith.constant 512 : i32
        %mul3A_150 = arith.muli %scan3A_135, %mul3A_149 : i32
        %swap3A = arith.index_cast %mul3A_150 : i32 to index
        %swap3A_151 = arith.constant 0 : index
        %swap3A_152 = vector.load %arg6[%swap3A, %swap3A_151] : memref<8192x512xbf16, #tpu.memory_space<vmem>>, vector<512x512xbf16>
        tpu.vector_store %arg6[%swap3A, %swap3A_151], %convert_element_type3A_148 {strides = array<i32>} : memref<8192x512xbf16, #tpu.memory_space<vmem>>, vector<512x512xbf16>,
      }
      %scan3A_134 = arith.constant 16 : i32
    } else {
    }
    %mul3A = arith.constant 512 : i32
    %mul3A_76 = arith.muli %min3A_56, %mul3A : i32
    %get3A = arith.index_cast %mul3A_76 : i32 to index
    %get3A_77 = arith.constant 0 : index
    %get3A_78 = vector.load %arg6[%get3A, %get3A_77] : memref<8192x512xbf16, #tpu.memory_space<vmem>>, vector<512x512xbf16>
    %mul3A_79 = arith.constant 512 : i32
    %mul3A_80 = arith.muli %select_n3A_72, %mul3A_79 : i32
    %get3A_81 = arith.index_cast %mul3A_80 : i32 to index
    %get3A_82 = arith.constant 0 : index
    %get3A_83 = vector.load %arg6[%get3A_81, %get3A_82] : memref<8192x512xbf16, #tpu.memory_space<vmem>>, vector<512x512xbf16>
    %dot_general3A = arith.constant dense<0.000000e+00> : vector<512x512xf32>
    %dot_general3A_84 = tpu.matmul %get3A_78, %get3A_83, %dot_general3A {dimension_numbers = #tpu.dot_dimension_numbers<[1], [1], [0], [0], [0, 0, 1, 0], [], []>, transpose_lhs_hint = false} : vector<512x512xbf16>, vector<512x512xbf16>, vector<512x512xf32> -> vector<512x512xf32>
    %eq3A_85 = arith.constant 0 : i32
    %eq3A_86 = arith.cmpi eq, %select_n3A_31, %eq3A_85 : i32
    %convert_element_type3A_87 = arith.extui %eq3A_86 : i1 to i32
    %cond3A_88 = arith.constant 0xFF800000 : f32
    %cond3A_89 = arith.constant 0 : i32
    %cond3A_90 = arith.cmpi ne, %convert_element_type3A_87, %cond3A_89 : i32
    scf.if %cond3A_90 {
      %broadcast_in_dim3A = vector.broadcast %cond3A_88 : f32 to vector<512x1xf32>
      %swap3A = arith.constant 0 : index
      %swap3A_131 = arith.constant 0 : index
      %swap3A_132 = vector.load %arg8[%swap3A, %swap3A_131] : memref<512x1xf32, #tpu.memory_space<vmem>>, vector<512x1xf32>
      tpu.vector_store %arg8[%swap3A, %swap3A_131], %broadcast_in_dim3A {strides = array<i32>} : memref<512x1xf32, #tpu.memory_space<vmem>>, vector<512x1xf32>,
    } else {
    }
    %get3A_91 = arith.constant 0 : index
    %get3A_92 = arith.index_cast %select_n3A : i32 to index
    %get3A_93 = memref.load %arg4[%get3A_91, %get3A_92] : memref<2x16xi32, #tpu.memory_space<smem>>
    %get3A_94 = arith.constant 1 : index
    %get3A_95 = arith.index_cast %select_n3A_31 : i32 to index
    %get3A_96 = memref.load %arg4[%get3A_94, %get3A_95] : memref<2x16xi32, #tpu.memory_space<smem>>
    %le3A = arith.cmpi sle, %get3A_93, %get3A_96 : i32
    %get3A_97 = arith.constant 0 : index
    %get3A_98 = arith.index_cast %select_n3A_31 : i32 to index
    %get3A_99 = memref.load %arg4[%get3A_97, %get3A_98] : memref<2x16xi32, #tpu.memory_space<smem>>
    %get3A_100 = arith.constant 1 : index
    %get3A_101 = arith.index_cast %select_n3A : i32 to index
    %get3A_102 = memref.load %arg4[%get3A_100, %get3A_101] : memref<2x16xi32, #tpu.memory_space<smem>>
    %le3A_103 = arith.cmpi sle, %get3A_99, %get3A_102 : i32
    %and3A_104 = arith.andi %le3A, %le3A_103 : i1
    %convert_element_type3A_105 = arith.extui %and3A_104 : i1 to i32
    %cond3A_106 = arith.constant 0xFF800000 : f32
    %cond3A_107 = arith.constant 0 : i32
    %cond3A_108 = arith.cmpi ne, %convert_element_type3A_105, %cond3A_107 : i32
    scf.if %cond3A_108 {
      %get3A_131 = arith.index_cast %select_n3A_31 : i32 to index
      %get3A_132 = arith.constant 0 : index
      %get3A_133 = arith.constant 0 : index
      %get3A_134 = vector.load %arg7[%get3A_131, %get3A_132, %get3A_133] : memref<16x512x512xf32, #tpu.memory_space<vmem>>, vector<1x512x512xf32>
      %get3A_135 = vector.shape_cast %get3A_134 : vector<1x512x512xf32> to vector<512x512xf32>
      %get3A_136 = arith.index_cast %select_n3A : i32 to index
      %get3A_137 = arith.constant 0 : index
      %get3A_138 = arith.constant 0 : index
      %get3A_139 = vector.load %arg2[%get3A_136, %get3A_137, %get3A_138] : memref<16x512x1xi32, #tpu.memory_space<vmem>>, vector<1x512x1xi32>
      %get3A_140 = vector.shape_cast %get3A_139 : vector<1x512x1xi32> to vector<512x1xi32>
      %get3A_141 = arith.index_cast %select_n3A_31 : i32 to index
      %get3A_142 = arith.constant 0 : index
      %get3A_143 = arith.constant 0 : index
      %get3A_144 = vector.load %arg3[%get3A_141, %get3A_142, %get3A_143] : memref<16x1x512xi32, #tpu.memory_space<vmem>>, vector<1x1x512xi32>
      %get3A_145 = vector.shape_cast %get3A_144 : vector<1x1x512xi32> to vector<1x512xi32>
      %eq3A_146 = vector.broadcast %get3A_140 : vector<512x1xi32> to vector<512x512xi32>
      %eq3A_147 = vector.broadcast %get3A_145 : vector<1x512xi32> to vector<512x512xi32>
      %eq3A_148 = arith.cmpi eq, %eq3A_146, %eq3A_147 : vector<512x512xi32>
      %broadcast_in_dim3A = vector.broadcast %cond3A_106 : f32 to vector<512x512xf32>
      %select_n3A_149 = arith.select %eq3A_148, %get3A_135, %broadcast_in_dim3A : vector<512x512xi1>, vector<512x512xf32>
      %reduce_max3A = arith.constant dense<0xFF800000> : vector<512xf32>
      %reduce_max3A_150 = vector.multi_reduction <maximumf>, %select_n3A_149, %reduce_max3A [1] : vector<512x512xf32> to vector<512xf32>
      %broadcast_in_dim3A_151 = vector.shape_cast %reduce_max3A_150 : vector<512xf32> to vector<512x1xf32>
      %get3A_152 = arith.constant 0 : index
      %get3A_153 = arith.constant 0 : index
      %get3A_154 = vector.load %arg8[%get3A_152, %get3A_153] : memref<512x1xf32, #tpu.memory_space<vmem>>, vector<512x1xf32>
      %max3A_155 = arith.maximumf %get3A_154, %broadcast_in_dim3A_151 : vector<512x1xf32>
      %swap3A = arith.constant 0 : index
      %swap3A_156 = arith.constant 0 : index
      %swap3A_157 = vector.load %arg8[%swap3A, %swap3A_156] : memref<512x1xf32, #tpu.memory_space<vmem>>, vector<512x1xf32>
      tpu.vector_store %arg8[%swap3A, %swap3A_156], %max3A_155 {strides = array<i32>} : memref<512x1xf32, #tpu.memory_space<vmem>>, vector<512x1xf32>,
    } else {
    }
    %eq3A_109 = arith.constant 15 : i32
    %eq3A_110 = arith.cmpi eq, %select_n3A_31, %eq3A_109 : i32
    %gt3A = arith.constant 0 : i32
    %gt3A_111 = arith.cmpi sgt, %arg0, %gt3A : i32
    %and3A_112 = arith.andi %eq3A_110, %gt3A_111 : i1
    %convert_element_type3A_113 = arith.extui %and3A_112 : i1 to i32
    %cond3A_114 = arith.constant 0 : i32
    %cond3A_115 = arith.cmpi ne, %convert_element_type3A_113, %cond3A_114 : i32
    scf.if %cond3A_115 {
      %get3A_131 = arith.constant 0 : index
      %get3A_132 = arith.constant 0 : index
      %get3A_133 = vector.load %arg8[%get3A_131, %get3A_132] : memref<512x1xf32, #tpu.memory_space<vmem>>, vector<512x1xf32>
      %broadcast_in_dim3A = arith.constant 0 : i32
      %broadcast_in_dim3A_134 = vector.broadcast %broadcast_in_dim3A : i32 to vector<512x1xi32>
      %scan3A = arith.constant 0 : i32
      %scan3A_135 = arith.constant 16 : i32
      %scan3A_136 = arith.addi %scan3A, %scan3A_135 : i32
      %scan3A_137 = arith.constant 1 : i32
      %scan3A_138 = scf.for %scan3A_156 = %scan3A to %scan3A_136 step %scan3A_137 iter_args(%scan3A_157 = %broadcast_in_dim3A_134) -> (vector<512x1xi32>)  : i32 {
        %get3A_158 = arith.index_cast %scan3A_156 : i32 to index
        %get3A_159 = arith.constant 0 : index
        %get3A_160 = arith.constant 0 : index
        %get3A_161 = vector.load %arg7[%get3A_158, %get3A_159, %get3A_160] : memref<16x512x512xf32, #tpu.memory_space<vmem>>, vector<1x512x512xf32>
        %get3A_162 = vector.shape_cast %get3A_161 : vector<1x512x512xf32> to vector<512x512xf32>
        %gt3A_163 = vector.broadcast %get3A_133 : vector<512x1xf32> to vector<512x512xf32>
        %gt3A_164 = arith.cmpf ogt, %get3A_162, %gt3A_163 : vector<512x512xf32>
        %convert_element_type3A_165 = arith.extui %gt3A_164 : vector<512x512xi1> to vector<512x512xi32>
        %reduce_sum3A_166 = arith.constant dense<0> : vector<512xi32>
        %reduce_sum3A_167 = vector.multi_reduction <add>, %convert_element_type3A_165, %reduce_sum3A_166 [1] : vector<512x512xi32> to vector<512xi32>
        %broadcast_in_dim3A_168 = vector.shape_cast %reduce_sum3A_167 : vector<512xi32> to vector<512x1xi32>
        %add3A_169 = arith.addi %scan3A_157, %broadcast_in_dim3A_168 : vector<512x1xi32>
        scf.yield %add3A_169 : vector<512x1xi32>
      }
      %scan3A_139 = arith.constant 16 : i32
      %iota3A = tpu.iota {dimensions = array<i32: 1>} : vector<512x128xi32>
      %le3A_140 = vector.broadcast %scan3A_138 : vector<512x1xi32> to vector<512x128xi32>
      %le3A_141 = arith.cmpi sle, %le3A_140, %iota3A : vector<512x128xi32>
      %convert_element_type3A_142 = arith.extui %le3A_141 : vector<512x128xi1> to vector<512x128xi32>
      %convert_element_type3A_143 = arith.sitofp %convert_element_type3A_142 : vector<512x128xi32> to vector<512x128xf32>
      %reduce_sum3A = arith.constant dense<0.000000e+00> : vector<128xf32>
      %reduce_sum3A_144 = vector.multi_reduction <add>, %convert_element_type3A_143, %reduce_sum3A [0] : vector<512x128xf32> to vector<128xf32>
      %broadcast_in_dim3A_145 = vector.shape_cast %reduce_sum3A_144 : vector<128xf32> to vector<1x128xf32>
      %eq3A_146 = arith.constant 0 : i32
      %eq3A_147 = arith.cmpi eq, %select_n3A, %eq3A_146 : i32
      %convert_element_type3A_148 = arith.extui %eq3A_147 : i1 to i32
      %cond3A_149 = arith.constant 0 : i32
      %cond3A_150 = arith.cmpi ne, %convert_element_type3A_148, %cond3A_149 : i32
      scf.if %cond3A_150 {
        %swap3A = arith.constant 0 : index
        %swap3A_156 = arith.constant 0 : index
        %swap3A_157 = vector.load %arg5[%swap3A, %swap3A_156] : memref<1x128xf32, #tpu.memory_space<vmem>>, vector<1x128xf32>
        tpu.vector_store %arg5[%swap3A, %swap3A_156], %broadcast_in_dim3A_145 {strides = array<i32>} : memref<1x128xf32, #tpu.memory_space<vmem>>, vector<1x128xf32>,
      } else {
      }
      %gt3A_151 = arith.constant 0 : i32
      %gt3A_152 = arith.cmpi sgt, %select_n3A, %gt3A_151 : i32
      %convert_element_type3A_153 = arith.extui %gt3A_152 : i1 to i32
      %cond3A_154 = arith.constant 0 : i32
      %cond3A_155 = arith.cmpi ne, %convert_element_type3A_153, %cond3A_154 : i32
      scf.if %cond3A_155 {
        %get3A_156 = arith.constant 0 : index
        %get3A_157 = arith.constant 0 : index
        %get3A_158 = vector.load %arg5[%get3A_156, %get3A_157] : memref<1x128xf32, #tpu.memory_space<vmem>>, vector<1x128xf32>
        %add3A_159 = arith.addf %get3A_158, %broadcast_in_dim3A_145 : vector<1x128xf32>
        %swap3A = arith.constant 0 : index
        %swap3A_160 = arith.constant 0 : index
        %swap3A_161 = vector.load %arg5[%swap3A, %swap3A_160] : memref<1x128xf32, #tpu.memory_space<vmem>>, vector<1x128xf32>
        tpu.vector_store %arg5[%swap3A, %swap3A_160], %add3A_159 {strides = array<i32>} : memref<1x128xf32, #tpu.memory_space<vmem>>, vector<1x128xf32>,
      } else {
      }
    } else {
    }
    %lt3A_116 = arith.constant 256 : i32
    %lt3A_117 = arith.cmpi slt, %arg0, %lt3A_116 : i32
    %ne3A_118 = arith.cmpi ne, %min3A_56, %select_n3A_72 : i32
    %and3A_119 = arith.andi %lt3A_117, %ne3A_118 : i1
    %convert_element_type3A_120 = arith.extui %and3A_119 : i1 to i32
    %cond3A_121 = arith.constant 0 : i32
    %cond3A_122 = arith.cmpi ne, %convert_element_type3A_120, %cond3A_121 : i32
    scf.if %cond3A_122 {
      %swap3A = arith.index_cast %select_n3A_72 : i32 to index
      %swap3A_131 = arith.constant 0 : index
      %swap3A_132 = arith.constant 0 : index
      %swap3A_133 = vector.load %arg7[%swap3A, %swap3A_131, %swap3A_132] : memref<16x512x512xf32, #tpu.memory_space<vmem>>, vector<1x512x512xf32>
      %swap3A_134 = vector.shape_cast %swap3A_133 : vector<1x512x512xf32> to vector<512x512xf32>
      %swap3A_135 = vector.shape_cast %dot_general3A_84 : vector<512x512xf32> to vector<1x512x512xf32>
      tpu.vector_store %arg7[%swap3A, %swap3A_131, %swap3A_132], %swap3A_135 {strides = array<i32>} : memref<16x512x512xf32, #tpu.memory_space<vmem>>, vector<1x512x512xf32>,
    } else {
    }
    %lt3A_123 = arith.constant 256 : i32
    %lt3A_124 = arith.cmpi slt, %arg0, %lt3A_123 : i32
    %eq3A_125 = arith.cmpi eq, %min3A_56, %select_n3A_72 : i32
    %and3A_126 = arith.andi %lt3A_124, %eq3A_125 : i1
    %convert_element_type3A_127 = arith.extui %and3A_126 : i1 to i32
    %cond3A_128 = arith.constant 0xFF800000 : f32
    %cond3A_129 = arith.constant 0 : i32
    %cond3A_130 = arith.cmpi ne, %convert_element_type3A_127, %cond3A_129 : i32
    scf.if %cond3A_130 {
      %iota3A = tpu.iota {dimensions = array<i32: 0>} : vector<512x512xi32>
      %iota3A_131 = tpu.iota {dimensions = array<i32: 1>} : vector<512x512xi32>
      %eq3A_132 = arith.cmpi eq, %iota3A, %iota3A_131 : vector<512x512xi32>
      %broadcast_in_dim3A = vector.broadcast %cond3A_128 : f32 to vector<512x512xf32>
      %select_n3A_133 = arith.select %eq3A_132, %broadcast_in_dim3A, %dot_general3A_84 : vector<512x512xi1>, vector<512x512xf32>
      %swap3A = arith.index_cast %select_n3A_72 : i32 to index
      %swap3A_134 = arith.constant 0 : index
      %swap3A_135 = arith.constant 0 : index
      %swap3A_136 = vector.load %arg7[%swap3A, %swap3A_134, %swap3A_135] : memref<16x512x512xf32, #tpu.memory_space<vmem>>, vector<1x512x512xf32>
      %swap3A_137 = vector.shape_cast %swap3A_136 : vector<1x512x512xf32> to vector<512x512xf32>
      %swap3A_138 = vector.shape_cast %select_n3A_133 : vector<512x512xf32> to vector<1x512x512xf32>
      tpu.vector_store %arg7[%swap3A, %swap3A_134, %swap3A_135], %swap3A_138 {strides = array<i32>} : memref<16x512x512xf32, #tpu.memory_space<vmem>>, vector<1x512x512xf32>,
    } else {
    }
    return
  }
  func.func @transform_0(%arg0: i32) -> (i32, i32) {
    %c0_i32 = arith.constant 0 : i32
    %c0_i32_0 = arith.constant 0 : i32
    %c0_i32_1 = arith.constant 0 : i32
    return %c0_i32, %c0_i32_0 : i32, i32
  }
  func.func @transform_1(%arg0: i32) -> (i32, i32, i32) {
    %c0_i32 = arith.constant 0 : i32
    %c0_i32_0 = arith.constant 0 : i32
    %c0_i32_1 = arith.constant 0 : i32
    %c0_i32_2 = arith.constant 0 : i32
    return %c0_i32, %c0_i32_0, %c0_i32_1 : i32, i32, i32
  }
  func.func @transform_2(%arg0: i32) -> (i32, i32, i32) {
    %c0_i32 = arith.constant 0 : i32
    %c0_i32_0 = arith.constant 0 : i32
    %c0_i32_1 = arith.constant 0 : i32
    %c0_i32_2 = arith.constant 0 : i32
    return %c0_i32, %c0_i32_0, %c0_i32_1 : i32, i32, i32
  }
  func.func @transform_3(%arg0: i32) -> (i32, i32) {
    %c0_i32 = arith.constant 0 : i32
    %c0_i32_0 = arith.constant 0 : i32
    %c0_i32_1 = arith.constant 0 : i32
    return %c0_i32, %c0_i32_0 : i32, i32
  }
  func.func @transform_4(%arg0: i32) -> (i32, i32) {
    %c0_i32 = arith.constant 0 : i32
    %c0_i32_0 = arith.constant 0 : i32
    %c0_i32_1 = arith.constant 0 : i32
    return %c0_i32, %c0_i32_0 : i32, i32
  }
}

</mosaic_0001>

<sc_bundles>
// kernel: gather_offload_async_start.1
scs
__scs_entry_jumppad:
0x0: {  	(pc) =	sbr.rel $0x88, $3  }
0x1: {  	(tag) =	ssettag $0x0;
	lr =	simm.s32 $0x1  }
0x2: {  	[smem:$0x3F9F] =	sst lr;
	_ =	strace $0xD0000000  }
0x3: {  	_ = 	snop  }
0x4: {  	_ = 	snop  }
0x5: {  	_ = 	snop  }
0x6: {  	_ = 	snop  }
0x7: {  	_ = 	snop  }
__scs_overlays_trampoline_lowered:
0x8: {  	[smem:$0x3FAE] =	sst s0  }
0x9: {  	[smem:$0x3FAF] =	sst s1  }
0xa: {  	[smem:$0x3FB0] =	sst s2  }
0xb: {  	[smem:$0x3FB1] =	sst s3  }
0xc: {  	[smem:$0x3FB2] =	sst s4  }
0xd: {  	[smem:$0x3FB3] =	sst s5  }
0xe: {  	[smem:$0x3FB4] =	sst s6  }
0xf: {  	[smem:$0x3FB5] =	sst s7  }
0x10: {  	[smem:$0x3FB6] =	sst s8  }
0x11: {  	[smem:$0x3FB7] =	sst s9;
	s0 =	simm.s32 @!p0 $0x0  }
0x12: {  	s1 =	sld [smem:$0x3F9D];
	s0 =	simm.s32 @p0 $0x1  }
0x13: {  	[smem:$0x3FB8] =	sst s0;
	s0 =	simm.s32 @!p1 $0x0  }
0x14: {  	s2 =	sld [smem:$0x3F9C];
	s0 =	simm.s32 @p1 $0x1  }
0x15: {  	[smem:$0x3FB9] =	sst s0;
	s0 =	simm.s32 @!p2 $0x0  }
0x16: {  	s3 =	sld [smem:$0x3FDB];
	s0 =	simm.s32 @p2 $0x1  }
0x17: {  	s4 =	simm.s32 $0x1BF5;
	[smem:$0x3FBB] =	sst s0  }
0x18: {  	s0 =	sld [smem:$0x3F9E];
	_ =	swait.ge [sflag:s4], $0x0  }
0x19: {  	s7 =	sld [smem:$0x3F9F]  }
0x1a: {  	s8 =	sadd.s32 $0xFFFFE003, lr  }
0x1b: {  	s9 =	sadd.s32 $0xFFFFFEF7, lr;
	s5 =	simm.s32 $0xFFFFFFFF;
	p2 =	slt.u32 s8, $0xFFFFF086  }
0x1c: {  	p1 =	slt.u32 s9, $0xF7A;
	s5 =	simm.s32 @!p2 $0x0  }
0x1d: {  	s5 =	simm.s32 @p1 $0x1;
	p0 =	seq.s32 s7, s2  }
0x1e: {  	s7 =	smul.u32 @!p0 $0xF7A, s2;
	p2 =	seq.s32 @!p0 s5, $0x0  }
0x1f: {  	s9 =	smul.u32 $0xF7A, s1;
	s8 =	simm.s32 @!p0 $0x1BF5;
	p2 =	por !p2, p0  }
0x20: {  	[sflag:s8] =	ssyncset.s32 @!p0 $0xFFFFF086;
	s6 =	sadd.s32 @!p0 s3, s7;
	s7 =	simm.s32 @!p0 $0x108  }
0x21: {  	s3 =	sadd.s32 s3, s9;
	s6 =	sadd.s32 @!p0 $0x88, s6;
	s7 =	simm.s32 @p2 $0x1082  }
0x22: {  	[simem:s7], [sflag:s8] =	dma.local @!p0 [hbm:s6], $0xF7A  }
0x23: {  	s9 =	sor.u32 $0xD0000000, s2;
	s6 =	simm.s32 $0x108;
	_ =	swait.ge @!p0 [sflag:s8], $0x0  }
0x24: {  	s3 =	sadd.s32 $0x88, s3;
	s6 =	simm.s32 @!p1 $0x1082;
	[sflag:s4] =	ssyncset.s32 $0xFFFFF086  }
0x25: {  	[simem:s6], [sflag:s4] =	dma.local [hbm:s3], $0xF7A  }
0x26: {  	[smem:$0x3F9F] =	sst s1;
	(tag) =	ssettag s2;
	_ =	strace s9  }
0x27: {  	s1 =	sld [smem:$0x3FAF]  }
0x28: {  	s2 =	sld [smem:$0x3FB0]  }
0x29: {  	s4 =	sld [smem:$0x3FB2]  }
0x2a: {  	p0 =	seq.s32 s5, $0x0;
	s5 =	sld [smem:$0x3FB3]  }
0x2b: {  	s6 =	sld [smem:$0x3FB4]  }
0x2c: {  	s7 =	sld [smem:$0x3FB5]  }
0x2d: {  	s3 =	simm.s32 $0x108;
	s8 =	sld [smem:$0x3FB6]  }
0x2e: {  	s3 =	simm.s32 @!p0 $0x1082;
	s9 =	sld [smem:$0x3FB7]  }
0x2f: {  	lr =	sadd.s32 s0, s3;
	s0 =	sld [smem:$0x3FAE]  }
0x30: {  	s3 =	sld [smem:$0x3FB1]  }
0x31: {  	[smem:$0x3FBA] =	sst s10  }
0x32: {  	s10 =	sld [smem:$0x3FB8];
	_ =	sdelay $0x3  }
0x33: {  	p0 =	seq.s32 s10, $0x1;
	s10 =	sld [smem:$0x3FBA];
	_ =	sdelay $0x3  }
0x34: {  	[smem:$0x3FBA] =	sst s10  }
0x35: {  	s10 =	sld [smem:$0x3FB9];
	_ =	sdelay $0x3  }
0x36: {  	p1 =	seq.s32 s10, $0x1;
	s10 =	sld [smem:$0x3FBA];
	_ =	sdelay $0x3  }
0x37: {  	[smem:$0x3FBA] =	sst s10  }
0x38: {  	s10 =	sld [smem:$0x3FBB]  }
0x39: {  	_ = 	snop;
	(pc) =	sbr.ind lr, $3  }
0x3a: {  	_ = 	snop  }
0x3b: {  	_ = 	snop  }
0x3c: {  	p2 =	seq.s32 s10, $0x1;
	s10 =	sld [smem:$0x3FBA]  }
0x3d: {  	_ =	shalt  }
0x3e: {  	_ =	shalt  }
0x3f: {  	_ =	shalt  }
0x40: {  	_ =	shalt  }
0x41: {  	_ =	shalt  }
0x42: {  	_ =	shalt  }
0x43: {  	_ =	shalt  }
0x44: {  	_ =	shalt  }
0x45: {  	_ =	shalt  }
0x46: {  	_ =	shalt  }
0x47: {  	_ =	shalt  }
0x48: {  	_ =	shalt  }
0x49: {  	_ =	shalt  }
0x4a: {  	_ =	shalt  }
0x4b: {  	_ =	shalt  }
0x4c: {  	_ =	shalt  }
0x4d: {  	_ =	shalt  }
0x4e: {  	_ =	shalt  }
0x4f: {  	_ =	shalt  }
0x50: {  	_ =	shalt  }
0x51: {  	_ =	shalt  }
0x52: {  	_ =	shalt  }
0x53: {  	_ =	shalt  }
0x54: {  	_ =	shalt  }
0x55: {  	_ =	shalt  }
0x56: {  	_ =	shalt  }
0x57: {  	_ =	shalt  }
0x58: {  	_ =	shalt  }
0x59: {  	_ =	shalt  }
0x5a: {  	_ =	shalt  }
0x5b: {  	_ =	shalt  }
0x5c: {  	_ =	shalt  }
0x5d: {  	_ =	shalt  }
0x5e: {  	_ =	shalt  }
0x5f: {  	_ =	shalt  }
0x60: {  	_ =	shalt  }
0x61: {  	_ =	shalt  }
0x62: {  	_ =	shalt  }
0x63: {  	_ =	shalt  }
0x64: {  	_ =	shalt  }
0x65: {  	_ =	shalt  }
0x66: {  	_ =	shalt  }
0x67: {  	_ =	shalt  }
0x68: {  	_ =	shalt  }
0x69: {  	_ =	shalt  }
0x6a: {  	_ =	shalt  }
0x6b: {  	_ =	shalt  }
0x6c: {  	_ =	shalt  }
0x6d: {  	_ =	shalt  }
0x6e: {  	_ =	shalt  }
0x6f: {  	_ =	shalt  }
0x70: {  	_ =	shalt  }
0x71: {  	_ =	shalt  }
0x72: {  	_ =	shalt  }
0x73: {  	_ =	shalt  }
0x74: {  	_ =	shalt  }
0x75: {  	_ =	shalt  }
0x76: {  	_ =	shalt  }
0x77: {  	_ =	shalt  }
0x78: {  	_ =	shalt  }
0x79: {  	_ =	shalt  }
0x7a: {  	_ =	shalt  }
0x7b: {  	_ =	shalt  }
0x7c: {  	_ =	shalt  }
0x7d: {  	_ =	shalt  }
0x7e: {  	_ =	shalt  }
0x7f: {  	_ =	shalt  }
0x80: {  	_ =	shalt  }
0x81: {  	_ =	shalt  }
0x82: {  	_ =	shalt  }
0x83: {  	_ =	shalt  }
0x84: {  	_ =	shalt  }
0x85: {  	_ =	shalt  }
0x86: {  	_ =	shalt  }
0x87: {  	_ =	shalt  }
.Lfunc_end0:
.L_simem_size_0:
called_computation.1_lowered:
.L_overlay_start_0:
0x88: {  	s2 =	sld [smem:$0x3FD9]  }
0x89: {  	s3 =	sld [smem:$0x3FFE];
	_ =	sdelay $0x1  }
0x8a: {  	s1 =	srdreg.scid  }
0x8b: {  	s0 =	sand.u32 $0x1, s1  }
0x8c: {  	s17 =	sshll.u32 s0, $0xA;
	s2 =	sadd.s32 s3, s2  }
0x8d: {  	s2 =	sadd.s32 s2, s17  }
0x8e: {  	[smem:$0x3FC6] =	sst s2  }
0x8f: {  	_ = 	snop  }
0x90: {  	s18 =	sld [smem:$0x3FC9];
	(tm) =	ssettm $0x1  }
0x91: {  	s19 =	sld [smem:$0x3FFB];
	_ =	sdelay $0x3  }
0x92: {  	_ =	strace s19  }
0x93: {  	s2 =	sld [smem:$0x3FFC];
	_ =	sdelay $0x3  }
0x94: {  	_ =	strace s2  }
0x95: {  	s2 =	sld [smem:$0x3FFD];
	_ =	sdelay $0x3  }
0x96: {  	_ =	strace s2  }
0x97: {  	_ =	strace $0x8FFFFFFF  }
0x98: {  	s20 =	sld [smem:$0x3FDB];
	_ =	sdelay $0x1  }
0x99: {  	s4 =	simm.s32 $_scs_section_size  }
0x9a: {  	s5 =	simm.s32 $_size__tile_overlayer_lowered;
	s6 =	simm.s32 $_tile_overlayer_lowered  }
0x9b: {  	s7 =	simm.s32 $0x1BFF;
	s21 =	sshll.u32 s6, $0x1;
	s4 =	sadd.s32 s4, s20  }
0x9c: {  	s22 =	simm.s32 $0x0;
	s5 =	sshll.u32 s5, $0x1;
	s6 =	sadd.s32 s21, s4  }
0x9d: {  	[timem:s22], [sflag:s7] =	dma.local [hbm:s6], s5  }
0x9e: {  	_ =	swait.ge [sflag:s7], s5  }
0x9f: {  	s5 =	ssub.s32 $0x0, s5;
	[sflag:s7] =	ssyncset.done $0x0  }
0xa0: {  	[sflag:s7] =	ssyncadd.s32 s5;
	_ =	sdelay $0x1  }
0xa1: {  	s23 =	simm.s32 $0x1B8B  }
0xa2: {  	_ =	swait.ge [sflag:s23], $0x1  }
0xa3: {  	[sflag:s23] =	ssyncset.done $0x0  }
0xa4: {  	[sflag:s23] =	ssyncadd.s32 $0xFFFFFFFF  }
0xa5: {  	s5 =	sld [smem:$0x0]  }
0xa6: {  	s6 =	sand.u32 $0xFFFFFFFE, s1  }
0xa7: {  	p0 =	sne.s32 s1, s6  }
0xa8: {  	s6 =	sshll.u32 @p0 s6, $0xE  }
0xa9: {  	s6 =	sadd.s32 @p0 $0x11B8D, s6;
	s7 =	sshll.u32 @p0 s5, $0x11  }
0xaa: {  	s6 =	sor.u32 @p0 s7, s6  }
0xab: {  	[sflag:s6] =	ssyncadd.remote.s32 @p0 $0x1;
	_ =	sdelay $0x1  }
0xac: {  	s6 =	simm.s32 @p0 $0x1B8D  }
0xad: {  	_ =	swait.eq @p0 [sflag:s6], $0x1  }
0xae: {  	[sflag:s6] =	ssyncadd.s32 @p0 $0xFFFFFFFF  }
0xaf: {  	s7 =	sshll.u32 @!p0 s1, $0xE  }
0xb0: {  	s7 =	sor.u32 @!p0 $0x4000, s7;
	s6 =	simm.s32 @!p0 $0x1B8D  }
0xb1: {  	s5 =	sshll.u32 @!p0 s5, $0x11;
	s7 =	sadd.s32 @!p0 $0x11B8D, s7;
	_ =	swait.eq @!p0 [sflag:s6], $0x1  }
0xb2: {  	s5 =	sor.u32 @!p0 s5, s7;
	[sflag:s6] =	ssyncadd.s32 @!p0 $0xFFFFFFFF  }
0xb3: {  	s25 =	simm.s32 $0x1B8E;
	s24 =	sld [smem:$0x3FFE];
	[sflag:s5] =	ssyncadd.remote.s32 @!p0 $0x1  }
0xb4: {  	s26 =	simm.s32 $execute0_lowered;
	[smem:$0x3FD2] =	sst s25  }
0xb5: {  	s6 =	sshll.u32 s26, $0x1;
	_ =	strace $0x80000049;
	[dreg:$0x1] =	wrdreg $0xFFFFFFFF  }
0xb6: {  	s28 =	simm.s32 $_size_execute0_lowered;
	s4 =	sadd.s32 s4, s6;
	[dreg:$0x0] =	wrdreg $0x0  }
0xb7: {  	s6 =	sshll.u32 s28, $0x1;
	[dreg:$0x2] =	wrdreg s4  }
0xb8: {  	[dreg:$0x3] =	wrdreg s6  }
0xb9: {  	[dreg:$0x4] =	wrdreg $0xC0  }
0xba: {  	_ =	task [dreg:s22], $0x5FFFF  }
0xbb: {  	[dreg:$0x1] =	wrdreg $0xFFFFFFFF  }
0xbc: {  	[dreg:$0x0] =	wrdreg $0x60  }
0xbd: {  	[dreg:$0x2] =	wrdreg s18  }
0xbe: {  	[dreg:$0x3] =	wrdreg s24  }
0xbf: {  	[dreg:$0x4] =	wrdreg $0xA  }
0xc0: {  	_ =	task.clear_ibuf [dreg:s22], $0x5FFFF;
	_ =	strace $0x90000049  }
0xc1: {  	s29 =	simm.s32 $0xA;
	_ =	strace $0x8000004B  }
0xc2: {  	_ =	swait.ge [sflag:s29], $0x1  }
0xc3: {  	[sflag:s29] =	ssyncadd.s32 $0xFFFFFFFF  }
0xc4: {  	_ =	strace $0x9000004B  }
0xc5: {  	_ =	sfence  }
0xc6: {  	s30 =	sld [smem:$0x0];
	_ =	sdelay $0x2  }
0xc7: {  	s31 =	sshll.u32 s1, $0xD;
	s1 =	sshrl.u32 s1, $0x2  }
0xc8: {  	s4 =	sand.u32 $0x4000, s31;
	s1 =	sadd.s32 s1, s30  }
0xc9: {  	s0 =	sor.u32 s4, s0;
	s1 =	sshll.u32 s1, $0x11  }
0xca: {  	s0 =	sor.u32 s1, s0  }
0xcb: {  	s0 =	sadd.s32 $0x8F2B, s0  }
0xcc: {  	[sflag:s0] =	ssyncadd.remote.s32 $0x1  }
0xcd: {  	_ =	sfence.sel $0xFFFF  }
0xce: {  	[dreg:$0x0] =	wrdreg $0xFFFFFFFF;
	(pc) =	sbr.abs _section_cstart, $3  }
0xcf: {  	[dreg:$0x1] =	wrdreg $0xFFFFFFFF  }
0xd0: {  	_ =	task.clear_ibuf [dreg:s22], $0x2FFFF;
	_ =	strace $0x9FFFFFFF  }
0xd1: {  	(tm) =	ssettm $0x7FFFFFFF  }
tec
execute0_lowered:
.L_overlay_start_1:
0x0: {  	(tag) =	ssettag $0x1  }
0x1: {  	s2 =	rddreg [dreg:$0x0]  }
0x2: {  	s3 =	rddreg [dreg:$0x1]  }
0x3: {  	s0 =	rddreg [dreg:$0x2];
	s1 =	srdreg.scid;
	_ =	strace $0x8000004A  }
0x4: {  	s4 =	simm.s32 $0x1;
	s9 =	simm.s32 $0x3;
	s5 =	sshll.u32 s1, $0x4  }
.Ltmp0:
0x5: {  	s1 =	stileid.u32;
	s5 =	sand.u32 $0x10, s5;
	(pc) =	sbr.rel .LBB2_1-.Ltmp0, $4  }
0x6: {  	s11 =	simm.s32 $0x0;
	p0 =	por $0x0, $0x0;
	s6 =	sor.u32 s1, s5  }
0x7: {  	[sflag:s4] =	ssyncpa.u1 $0x0;
	s5 =	simm.s32 $0x2;
	s6 =	sshll.u32 s6, $0x8  }
0x8: {  	s7 =	sadd.s32 $0x800, s3;
	[sflag:s5] =	ssyncpa.u1 $0x0;
	s8 =	sadd.s32 $0x100, s6  }
0x9: {  	vm0 =	vmmov $0xff;
	vm1 =	vcmask $0x3F20;
	[sflag:s9] =	ssyncpa.u1 $0x0;
	s10 =	smov.u32 s6;
	s9 =	simm.s32 $0x0  }
.LBB2_9:
0xa: {  	p1 =	slt.u32 s9, $0x2;
	s11 =	sadd.s32 $0x40, s10  }
0xb: {  	s13 =	smov.u32 s6;
	s9 =	sadd.s32 $0x1, s9;
	p2 =	slt.s32 s11, s8  }
0xc: {  	s13 =	smov.u32 @p2 s11;
	p2 =	sne.s32 s9, $0x6  }
.Ltmp1:
0xd: {  	_ = 	snop;
	(pc) =	sbr.rel @!p2 .LBB2_10-.Ltmp1, $4  }
0xe: {  	s12 =	simm.s32 @!p1 $0x3  }
0xf: {  	_ =	swait.ge @!p1 [sflag:s12], $0x8000  }
0x10: {  	p0 =	por !p0, !p0;
	[sflag:s12] =	ssyncset.done @!p1 $0x0  }
0x11: {  	s11 =	smov.u32 s10;
	s10 =	smov.u32 s13;
	[sflag:s12] =	ssyncadd.s32 @!p1 $0xFFFF8000  }
.LBB2_1:
0x12: {  	p1 =	sgt.u32 s9, $0x3  }
0x13: {  	s12 =	sxor.u32 @!p1 $0xFFFFFFFF, s9  }
0x14: {  	s13 =	sshrl.u32 @!p1 s10, $0x3;
	s12 =	sshll.u32 @!p1 s12, $0x6  }
0x15: {  	s14 =	sand.u32 @!p1 $0x7, s10;
	s13 =	sadd.s32 @!p1 s3, s13;
	s12 =	sand.u32 @!p1 $0x40, s12  }
0x16: {  	[tilespmem:s12], [sflag:$0x2] =	stream.linear.gather @!p1 [hbm4b:s13+s14], $0x40, $0x38;
	[tilespmem:$0x10080] =	vst v63  }
0x17: {  	p1 =	seq.s32 s9, $0x0  }
0x18: {  	p2 =	seq.s32 @!p1 s9, $0x5  }
0x19: {  	p1 =	por p1, p2  }
.Ltmp2:
0x1a: {  	_ = 	snop;
	(pc) =	sbr.rel @p1 .LBB2_9-.Ltmp2, $1  }
0x1b: {  	_ =	sdelay $0x3  }
0x1c: {  	s12 =	simm.s32 $0x1  }
0x1d: {  	s12 =	simm.s32 @!p0 $0x0  }
0x1e: {  	_ =	swait.ge [sflag:s5], $0x40;
	s13 =	sand.u32 $0x1, s9;
	s12 =	sshll.u32 s12, $0xF  }
0x1f: {  	s14 =	simm.s32 $0x0;
	[sflag:s5] =	ssyncset.done $0x0;
	s12 =	sor.u32 $0x80, s12  }
0x20: {  	s13 =	sshll.u32 s13, $0x6;
	[sflag:s5] =	ssyncadd.s32 $0xFFFFFFC0;
	s15 =	smov.u32 s12  }
.LBB2_3:
0x21: {  	s16 =	sshll.u32 s14, $0x4  }
0x22: {  	s16 =	sand.u32 $0x3FFFFFF0, s16  }
0x23: {  	s16 =	sadd.s32 s16, s13  }
0x24: {  	v0 =	vld.msk [tilespmem:s16+$0x0 ss:$0x1], $0xffff;
	_ =	sdelay $0x4  }
0x25: {  	vm2 =	vgt.s32 v0, $0x0  }
0x26: {  	v0 =	vnsel vm2, $0x0, v0  }
0x27: {  	v0 =	vmin.u32 v0, $0x1FFF  }
0x28: {  	v1 =	vshll.u32 v0, $0x6;
	v0 =	vshll.u32 v0, $0x4  }
0x29: {  	v1 =	vand.u32 $0x7FE00, v1;
	v0 =	vand.u32 $0x70, v0  }
0x2a: {  	v0 =	vor.u32 v0, v1;
	_ =	sdelay $0x3  }
0x2b: {  	s17 =	sadd.s32 $0x0, s15  }
0x2c: {  	[tilespmem:s17], [sflag:$0x1] =	stream.indirect_vreg.gather [hbm:s2], $0x80, v0, vm0, $0x38;
	[tilespmem:$0x10080] =	vst v63  }
0x2d: {  	s16 =	simm.s32 $0x1000;
	v1 =	vadd.s32 $0x80, v0;
	s17 =	sadd.s32 $0x1000, s17  }
.LBB2_4:
0x2e: {  	[tilespmem:s17], [sflag:$0x1] =	stream.indirect_vreg.gather [hbm:s2], $0x80, v0, vm1, $0x38;
	[tilespmem:$0x10080] =	vst v63  }
0x2f: {  	v0 =	vmov v1;
	s17 =	smov.u32 s16;
	p1 =	sne.s32 s16, $0x3000  }
.Ltmp3:
0x30: {  	s16 =	sadd.s32 $0x1000, s16;
	(pc) =	sbr.rel @p1 .LBB2_4-.Ltmp3, $4  }
0x31: {  	s17 =	sshra.s32 s17, $0x2  }
0x32: {  	s17 =	sadd.s32 s17, s15  }
0x33: {  	[tilespmem:s17], [sflag:$0x1] =	stream.indirect_vreg.gather [hbm:s2], $0x80, v1, vm0, $0x38;
	[tilespmem:$0x10080] =	vst v63  }
0x34: {  	s17 =	sadd.s32 $0x1000, s17;
	v1 =	vadd.s32 $0x80, v1  }
0x35: {  	s14 =	sadd.s32 $0x1, s14  }
0x36: {  	p1 =	sne.s32 s14, $0x4  }
.Ltmp4:
0x37: {  	_ = 	snop;
	(pc) =	sbr.rel @p1 .LBB2_3-.Ltmp4, $3  }
0x38: {  	_ =	sdelay $0x1  }
0x39: {  	[tilespmem:s17], [sflag:$0x1] =	stream.indirect_vreg.gather [hbm:s2], $0x80, v0, vm1, $0x38;
	[tilespmem:$0x10080] =	vst v63  }
0x3a: {  	s15 =	sadd.s32 $0x2000, s15  }
0x3b: {  	s13 =	sshll.u32 s11, $0x6  }
0x3c: {  	s31 =	sshll.u32 s11, $0x4;
	s13 =	sand.u32 $0xFFFFFE00, s13  }
0x3d: {  	_ =	swait.ge [sflag:s4], $0x8000;
	s11 =	sand.u32 $0x70, s31;
	s13 =	sadd.s32 s13, s7  }
0x3e: {  	s14 =	sadd.s32 $0x1000, s12;
	[sflag:s4] =	ssyncset.done $0x0;
	s11 =	sadd.s32 s11, s13  }
0x3f: {  	[sflag:s4] =	ssyncadd.s32 $0xFFFF8000;
	s13 =	simm.s32 $0x200;
	s15 =	sadd.s32 $0x0, s11  }
.LBB2_7:
0x40: {  	[hbm:s15] =	stream.linear.scatter [tilespmem:s12], [sflag:$0x3], $0x1000, $0x38;
	[tilespmem:$0x10080] =	vst v63  }
0x41: {  	s15 =	smov.u32 s13;
	s12 =	smov.u32 s14;
	p1 =	sne.s32 s13, $0xE00  }
.Ltmp5:
0x42: {  	s13 =	sadd.s32 $0x200, s13;
	(pc) =	sbr.rel @p1 .LBB2_7-.Ltmp5, $2  }
0x43: {  	_ =	sdelay $0x2  }
0x44: {  	s14 =	sadd.s32 $0x1000, s14;
	s15 =	sadd.s32 s15, s11  }
.Ltmp6:
0x45: {  	(pc) =	sbr.rel .LBB2_9-.Ltmp6, $2  }
0x46: {  	_ =	sdelay $0x2  }
0x47: {  	[hbm:s15] =	stream.linear.scatter [tilespmem:s12], [sflag:$0x3], $0x1000, $0x38;
	[tilespmem:$0x10080] =	vst v63  }
.LBB2_10:
0x48: {  	_ =	sfence.sel $0x180000  }
0x49: {  	s2 =	simm.s32 $0x2;
	[bflag:$0x0] =	sbarrier.arrive $0xFFFF  }
0x4a: {  	s30 =	simm.s32 $0x3;
	[sflag:s2] =	ssyncpa.u1 $0x1  }
0x4b: {  	s31 =	simm.s32 $0x1;
	[sflag:s30] =	ssyncpa.u1 $0x1  }
0x4c: {  	[sflag:s31] =	ssyncpa.u1 $0x1  }
0x4d: {  	p0 =	sne.s32 s1, $0x0;
	_ =	strace $0x9000004A  }
0x4e: {  	s0 =	sadd.s32 @!p0 $0x100000, s0;
	[bflag:$0x2] =	sbarrier.arrive $0xFFFF  }
0x4f: {  	[sflag:s0] =	ssyncadd.tile.s32 @!p0 $0x1;
	_ =	shalt  }
.Lfunc_end2:
_tile_overlayer_lowered:
.L_overlay_start_2:
0x50: {  	(tag) =	ssettag $0x2  }
0x51: {  	s0 =	rddreg [dreg:$0x0];
	s2 =	stileid.u32  }
0x52: {  	s1 =	rddreg [dreg:$0x1];
	p0 =	sne.s32 s2, $0x0  }
0x53: {  	s3 =	rddreg [dreg:$0x2];
	[bflag:$0x3] =	sbarrier.arrive $0xFFFF;
	s2 =	simm.s32 @!p0 $0x1C01  }
0x54: {  	[timem:s3], [sflag:s2] =	dma.local @!p0 [hbm:s0], s1  }
0x55: {  	s0 =	simm.s32 @!p0 $0x1  }
0x56: {  	_ =	swait.ge @!p0 [sflag:s0], s1  }
0x57: {  	s1 =	ssub.s32 @!p0 $0x0, s1;
	[sflag:s0] =	ssyncset.done @!p0 $0x0  }
0x58: {  	[sflag:s0] =	ssyncadd.s32 @!p0 s1  }
0x59: {  	[bflag:$0x3] =	sbarrier.arrive $0xFFFF  }
0x5a: {  	_ =	shalt  }

// kernel: gather_offload_async_start
scs
__scs_entry_jumppad:
0x0: {  	(pc) =	sbr.rel $0x88, $3  }
0x1: {  	(tag) =	ssettag $0x0;
	lr =	simm.s32 $0x1  }
0x2: {  	[smem:$0x3F9F] =	sst lr;
	_ =	strace $0xD0000000  }
0x3: {  	_ = 	snop  }
0x4: {  	_ = 	snop  }
0x5: {  	_ = 	snop  }
0x6: {  	_ = 	snop  }
0x7: {  	_ = 	snop  }
__scs_overlays_trampoline_lowered:
0x8: {  	[smem:$0x3FAE] =	sst s0  }
0x9: {  	[smem:$0x3FAF] =	sst s1  }
0xa: {  	[smem:$0x3FB0] =	sst s2  }
0xb: {  	[smem:$0x3FB1] =	sst s3  }
0xc: {  	[smem:$0x3FB2] =	sst s4  }
0xd: {  	[smem:$0x3FB3] =	sst s5  }
0xe: {  	[smem:$0x3FB4] =	sst s6  }
0xf: {  	[smem:$0x3FB5] =	sst s7  }
0x10: {  	[smem:$0x3FB6] =	sst s8  }
0x11: {  	[smem:$0x3FB7] =	sst s9;
	s0 =	simm.s32 @!p0 $0x0  }
0x12: {  	s1 =	sld [smem:$0x3F9D];
	s0 =	simm.s32 @p0 $0x1  }
0x13: {  	[smem:$0x3FB8] =	sst s0;
	s0 =	simm.s32 @!p1 $0x0  }
0x14: {  	s2 =	sld [smem:$0x3F9C];
	s0 =	simm.s32 @p1 $0x1  }
0x15: {  	[smem:$0x3FB9] =	sst s0;
	s0 =	simm.s32 @!p2 $0x0  }
0x16: {  	s3 =	sld [smem:$0x3FDB];
	s0 =	simm.s32 @p2 $0x1  }
0x17: {  	s4 =	simm.s32 $0x1BF5;
	[smem:$0x3FBB] =	sst s0  }
0x18: {  	s0 =	sld [smem:$0x3F9E];
	_ =	swait.ge [sflag:s4], $0x0  }
0x19: {  	s7 =	sld [smem:$0x3F9F]  }
0x1a: {  	s8 =	sadd.s32 $0xFFFFE003, lr  }
0x1b: {  	s9 =	sadd.s32 $0xFFFFFEF7, lr;
	s5 =	simm.s32 $0xFFFFFFFF;
	p2 =	slt.u32 s8, $0xFFFFF086  }
0x1c: {  	p1 =	slt.u32 s9, $0xF7A;
	s5 =	simm.s32 @!p2 $0x0  }
0x1d: {  	s5 =	simm.s32 @p1 $0x1;
	p0 =	seq.s32 s7, s2  }
0x1e: {  	s7 =	smul.u32 @!p0 $0xF7A, s2;
	p2 =	seq.s32 @!p0 s5, $0x0  }
0x1f: {  	s9 =	smul.u32 $0xF7A, s1;
	s8 =	simm.s32 @!p0 $0x1BF5;
	p2 =	por !p2, p0  }
0x20: {  	[sflag:s8] =	ssyncset.s32 @!p0 $0xFFFFF086;
	s6 =	sadd.s32 @!p0 s3, s7;
	s7 =	simm.s32 @!p0 $0x108  }
0x21: {  	s3 =	sadd.s32 s3, s9;
	s6 =	sadd.s32 @!p0 $0x88, s6;
	s7 =	simm.s32 @p2 $0x1082  }
0x22: {  	[simem:s7], [sflag:s8] =	dma.local @!p0 [hbm:s6], $0xF7A  }
0x23: {  	s9 =	sor.u32 $0xD0000000, s2;
	s6 =	simm.s32 $0x108;
	_ =	swait.ge @!p0 [sflag:s8], $0x0  }
0x24: {  	s3 =	sadd.s32 $0x88, s3;
	s6 =	simm.s32 @!p1 $0x1082;
	[sflag:s4] =	ssyncset.s32 $0xFFFFF086  }
0x25: {  	[simem:s6], [sflag:s4] =	dma.local [hbm:s3], $0xF7A  }
0x26: {  	[smem:$0x3F9F] =	sst s1;
	(tag) =	ssettag s2;
	_ =	strace s9  }
0x27: {  	s1 =	sld [smem:$0x3FAF]  }
0x28: {  	s2 =	sld [smem:$0x3FB0]  }
0x29: {  	s4 =	sld [smem:$0x3FB2]  }
0x2a: {  	p0 =	seq.s32 s5, $0x0;
	s5 =	sld [smem:$0x3FB3]  }
0x2b: {  	s6 =	sld [smem:$0x3FB4]  }
0x2c: {  	s7 =	sld [smem:$0x3FB5]  }
0x2d: {  	s3 =	simm.s32 $0x108;
	s8 =	sld [smem:$0x3FB6]  }
0x2e: {  	s3 =	simm.s32 @!p0 $0x1082;
	s9 =	sld [smem:$0x3FB7]  }
0x2f: {  	lr =	sadd.s32 s0, s3;
	s0 =	sld [smem:$0x3FAE]  }
0x30: {  	s3 =	sld [smem:$0x3FB1]  }
0x31: {  	[smem:$0x3FBA] =	sst s10  }
0x32: {  	s10 =	sld [smem:$0x3FB8];
	_ =	sdelay $0x3  }
0x33: {  	p0 =	seq.s32 s10, $0x1;
	s10 =	sld [smem:$0x3FBA];
	_ =	sdelay $0x3  }
0x34: {  	[smem:$0x3FBA] =	sst s10  }
0x35: {  	s10 =	sld [smem:$0x3FB9];
	_ =	sdelay $0x3  }
0x36: {  	p1 =	seq.s32 s10, $0x1;
	s10 =	sld [smem:$0x3FBA];
	_ =	sdelay $0x3  }
0x37: {  	[smem:$0x3FBA] =	sst s10  }
0x38: {  	s10 =	sld [smem:$0x3FBB]  }
0x39: {  	_ = 	snop;
	(pc) =	sbr.ind lr, $3  }
0x3a: {  	_ = 	snop  }
0x3b: {  	_ = 	snop  }
0x3c: {  	p2 =	seq.s32 s10, $0x1;
	s10 =	sld [smem:$0x3FBA]  }
0x3d: {  	_ =	shalt  }
0x3e: {  	_ =	shalt  }
0x3f: {  	_ =	shalt  }
0x40: {  	_ =	shalt  }
0x41: {  	_ =	shalt  }
0x42: {  	_ =	shalt  }
0x43: {  	_ =	shalt  }
0x44: {  	_ =	shalt  }
0x45: {  	_ =	shalt  }
0x46: {  	_ =	shalt  }
0x47: {  	_ =	shalt  }
0x48: {  	_ =	shalt  }
0x49: {  	_ =	shalt  }
0x4a: {  	_ =	shalt  }
0x4b: {  	_ =	shalt  }
0x4c: {  	_ =	shalt  }
0x4d: {  	_ =	shalt  }
0x4e: {  	_ =	shalt  }
0x4f: {  	_ =	shalt  }
0x50: {  	_ =	shalt  }
0x51: {  	_ =	shalt  }
0x52: {  	_ =	shalt  }
0x53: {  	_ =	shalt  }
0x54: {  	_ =	shalt  }
0x55: {  	_ =	shalt  }
0x56: {  	_ =	shalt  }
0x57: {  	_ =	shalt  }
0x58: {  	_ =	shalt  }
0x59: {  	_ =	shalt  }
0x5a: {  	_ =	shalt  }
0x5b: {  	_ =	shalt  }
0x5c: {  	_ =	shalt  }
0x5d: {  	_ =	shalt  }
0x5e: {  	_ =	shalt  }
0x5f: {  	_ =	shalt  }
0x60: {  	_ =	shalt  }
0x61: {  	_ =	shalt  }
0x62: {  	_ =	shalt  }
0x63: {  	_ =	shalt  }
0x64: {  	_ =	shalt  }
0x65: {  	_ =	shalt  }
0x66: {  	_ =	shalt  }
0x67: {  	_ =	shalt  }
0x68: {  	_ =	shalt  }
0x69: {  	_ =	shalt  }
0x6a: {  	_ =	shalt  }
0x6b: {  	_ =	shalt  }
0x6c: {  	_ =	shalt  }
0x6d: {  	_ =	shalt  }
0x6e: {  	_ =	shalt  }
0x6f: {  	_ =	shalt  }
0x70: {  	_ =	shalt  }
0x71: {  	_ =	shalt  }
0x72: {  	_ =	shalt  }
0x73: {  	_ =	shalt  }
0x74: {  	_ =	shalt  }
0x75: {  	_ =	shalt  }
0x76: {  	_ =	shalt  }
0x77: {  	_ =	shalt  }
0x78: {  	_ =	shalt  }
0x79: {  	_ =	shalt  }
0x7a: {  	_ =	shalt  }
0x7b: {  	_ =	shalt  }
0x7c: {  	_ =	shalt  }
0x7d: {  	_ =	shalt  }
0x7e: {  	_ =	shalt  }
0x7f: {  	_ =	shalt  }
0x80: {  	_ =	shalt  }
0x81: {  	_ =	shalt  }
0x82: {  	_ =	shalt  }
0x83: {  	_ =	shalt  }
0x84: {  	_ =	shalt  }
0x85: {  	_ =	shalt  }
0x86: {  	_ =	shalt  }
0x87: {  	_ =	shalt  }
.Lfunc_end0:
.L_simem_size_0:
called_computation_lowered:
.L_overlay_start_0:
0x88: {  	s2 =	sld [smem:$0x3FD9]  }
0x89: {  	s3 =	sld [smem:$0x3FFE];
	_ =	sdelay $0x1  }
0x8a: {  	s1 =	srdreg.scid  }
0x8b: {  	s0 =	sand.u32 $0x1, s1  }
0x8c: {  	s17 =	sshll.u32 s0, $0xA;
	s2 =	sadd.s32 s3, s2  }
0x8d: {  	s2 =	sadd.s32 s2, s17  }
0x8e: {  	[smem:$0x3FC6] =	sst s2  }
0x8f: {  	_ = 	snop  }
0x90: {  	s2 =	sld [smem:$0x3FC8];
	(tm) =	ssettm $0x1  }
0x91: {  	s18 =	sld [smem:$0x3FFB];
	_ =	sdelay $0x3  }
0x92: {  	_ =	strace s18  }
0x93: {  	s3 =	sld [smem:$0x3FFC];
	_ =	sdelay $0x3  }
0x94: {  	_ =	strace s3  }
0x95: {  	s3 =	sld [smem:$0x3FFD];
	_ =	sdelay $0x3  }
0x96: {  	_ =	strace s3  }
0x97: {  	_ =	strace $0x8FFFFFFF  }
0x98: {  	s19 =	sld [smem:$0x3FDB];
	_ =	sdelay $0x1  }
0x99: {  	s4 =	simm.s32 $_scs_section_size  }
0x9a: {  	s5 =	simm.s32 $_size__tile_overlayer_lowered;
	s6 =	simm.s32 $_tile_overlayer_lowered  }
0x9b: {  	s22 =	simm.s32 $0x1BFF;
	s21 =	sshll.u32 s6, $0x1;
	s3 =	sadd.s32 s4, s19  }
0x9c: {  	s7 =	simm.s32 $0x0;
	s20 =	sshll.u32 s5, $0x1;
	s5 =	sadd.s32 s21, s3  }
0x9d: {  	[timem:s7], [sflag:s22] =	dma.local [hbm:s5], s20  }
0x9e: {  	_ =	swait.ge [sflag:s22], s20  }
0x9f: {  	s4 =	ssub.s32 $0x0, s20;
	[sflag:s22] =	ssyncset.done $0x0  }
0xa0: {  	[sflag:s22] =	ssyncadd.s32 s4;
	_ =	sdelay $0x1  }
0xa1: {  	s23 =	simm.s32 $0x1B8B  }
0xa2: {  	_ =	swait.ge [sflag:s23], $0x1  }
0xa3: {  	[sflag:s23] =	ssyncset.done $0x0  }
0xa4: {  	s25 =	simm.s32 $0x1B8E;
	s24 =	sld [smem:$0x3FFE];
	[sflag:s23] =	ssyncadd.s32 $0xFFFFFFFF  }
0xa5: {  	s26 =	simm.s32 $execute0_lowered;
	[smem:$0x3FD2] =	sst s25  }
0xa6: {  	s5 =	sshll.u32 s26, $0x1;
	_ =	strace $0x80000046;
	[dreg:$0x1] =	wrdreg $0xFFFFFFFF  }
0xa7: {  	s28 =	simm.s32 $_size_execute0_lowered;
	s3 =	sadd.s32 s3, s5;
	[dreg:$0x0] =	wrdreg $0x0  }
0xa8: {  	s5 =	sshll.u32 s28, $0x1;
	[dreg:$0x2] =	wrdreg s3  }
0xa9: {  	[dreg:$0x3] =	wrdreg s5  }
0xaa: {  	[dreg:$0x4] =	wrdreg $0xC0  }
0xab: {  	_ =	task [dreg:s7], $0x5FFFF  }
0xac: {  	[dreg:$0x1] =	wrdreg $0xFFFFFFFF  }
0xad: {  	[dreg:$0x0] =	wrdreg $0x60  }
0xae: {  	[dreg:$0x2] =	wrdreg s2  }
0xaf: {  	[dreg:$0x3] =	wrdreg s24  }
0xb0: {  	[dreg:$0x4] =	wrdreg $0x9  }
0xb1: {  	_ =	task.clear_ibuf [dreg:s7], $0x5FFFF;
	_ =	strace $0x90000046  }
0xb2: {  	s29 =	simm.s32 $0x9;
	_ =	strace $0x80000048  }
0xb3: {  	_ =	swait.ge [sflag:s29], $0x1  }
0xb4: {  	[sflag:s29] =	ssyncadd.s32 $0xFFFFFFFF  }
0xb5: {  	_ =	strace $0x90000048  }
0xb6: {  	_ =	sfence  }
0xb7: {  	s30 =	sld [smem:$0x0];
	_ =	sdelay $0x2  }
0xb8: {  	s31 =	sshll.u32 s1, $0xD;
	s1 =	sshrl.u32 s1, $0x2  }
0xb9: {  	s3 =	sand.u32 $0x4000, s31;
	s1 =	sadd.s32 s1, s30  }
0xba: {  	s0 =	sor.u32 s3, s0;
	s1 =	sshll.u32 s1, $0x11  }
0xbb: {  	s0 =	sor.u32 s1, s0  }
0xbc: {  	s0 =	sadd.s32 $0x8F2B, s0  }
0xbd: {  	[sflag:s0] =	ssyncadd.remote.s32 $0x1  }
0xbe: {  	_ =	sfence.sel $0xFFFF  }
0xbf: {  	[dreg:$0x0] =	wrdreg $0xFFFFFFFF;
	(pc) =	sbr.abs _section_cstart, $3  }
0xc0: {  	[dreg:$0x1] =	wrdreg $0xFFFFFFFF  }
0xc1: {  	_ =	task.clear_ibuf [dreg:s7], $0x2FFFF;
	_ =	strace $0x9FFFFFFF  }
0xc2: {  	(tm) =	ssettm $0x7FFFFFFF  }
0xc3: {  	_ =	shalt  }
tec
execute0_lowered:
.L_overlay_start_1:
0x0: {  	(tag) =	ssettag $0x1  }
0x1: {  	s1 =	srdreg.scid;
	s2 =	rddreg [dreg:$0x0]  }
0x2: {  	s0 =	stileid.u32;
	s3 =	rddreg [dreg:$0x1]  }
0x3: {  	s6 =	simm.s32 $0x1;
	s9 =	simm.s32 $0x1;
	s1 =	sshll.u32 s1, $0x7  }
0x4: {  	s10 =	simm.s32 $0x3;
	s4 =	sshll.u32 s0, $0x8;
	s5 =	sand.u32 $0x80, s1  }
0x5: {  	s13 =	simm.s32 $0x0;
	s12 =	simm.s32 $0x0;
	s4 =	sor.u32 s4, s5  }
0x6: {  	s1 =	rddreg [dreg:$0x2];
	_ =	strace $0x80000047;
	s8 =	ssub.s32 $0x2000, s4  }
.Ltmp0:
0x7: {  	s5 =	sadd.s32 $0x400, s3;
	s7 =	sand.u32 $0xF80, s8;
	(pc) =	sbr.rel .LBB2_1-.Ltmp0, $4  }
0x8: {  	[sflag:s6] =	ssyncpa.u1 $0x0;
	s11 =	smov.u32 s4;
	p0 =	sne.s32 s7, $0x0  }
0x9: {  	s8 =	sshrl.u32 s8, $0xC;
	s7 =	simm.s32 $0x2;
	s9 =	simm.s32 @!p0 $0x0  }
0xa: {  	[sflag:s7] =	ssyncpa.u1 $0x0;
	p0 =	por $0x0, $0x0;
	s8 =	sadd.s32 s9, s8  }
0xb: {  	vm0 =	vmmov $0xffff;
	[sflag:s10] =	ssyncpa.u1 $0x0;
	s10 =	simm.s32 $0x0;
	s9 =	sadd.s32 $0x1, s8  }
.LBB2_4:
0xc: {  	v2 =	vnsel vm1, $0x0, v2  }
0xd: {  	vm1 =	vgt.s32 v0, $0x0;
	v2 =	vmin.u32 v2, $0x1FFF  }
0xe: {  	v0 =	vnsel vm1, $0x0, v0  }
0xf: {  	v0 =	vmin.u32 v0, $0x1FFF  }
0x10: {  	[tilespmem:s15], [sflag:$0x1] =	stream.indirect_vreg.gather [hbm4b:s2+s10], $0x1, v1, vm0, $0x4038;
	[tilespmem:$0x200] =	vst v63  }
0x11: {  	(ifvalue) =	ssetifvalue $0x7FFFFFFF  }
0x12: {  	[tilespmem:s16], [sflag:$0x1] =	stream.indirect_vreg.gather [hbm4b:s2+s10], $0x1, v2, vm0, $0x4038;
	[tilespmem:$0x200] =	vst v63  }
0x13: {  	s29 =	sadd.s32 $0x10, s16;
	(ifvalue) =	ssetifvalue $0x7FFFFFFF  }
0x14: {  	[tilespmem:s29], [sflag:$0x1] =	stream.indirect_vreg.gather [hbm4b:s2+s10], $0x1, v0, vm0, $0x4038;
	[tilespmem:$0x200] =	vst v63  }
0x15: {  	_ =	swait.ge [sflag:s6], $0x80  }
0x16: {  	s30 =	sshrl.u32 s13, $0x3;
	[sflag:s6] =	ssyncset.done $0x0  }
0x17: {  	s31 =	sand.u32 $0x7, s13;
	s15 =	sadd.s32 s5, s30;
	[sflag:s6] =	ssyncadd.s32 $0xFFFFFF80  }
0x18: {  	[hbm4b:s15+s31] =	stream.linear.scatter [tilespmem:s14], [sflag:$0x3], $0x80, $0x38;
	[tilespmem:$0x200] =	vst v63  }
.LBB2_5:
0x19: {  	s15 =	sadd.s32 $0x1000, s11  }
0x1a: {  	p2 =	sgt.s32 s15, $0x1FFF  }
0x1b: {  	s15 =	smov.u32 @p2 s4;
	p2 =	sne.s32 s12, s9  }
.Ltmp1:
0x1c: {  	p1 =	slt.u32 s12, $0x2;
	(pc) =	sbr.rel @!p2 .LBB2_6-.Ltmp1, $4  }
0x1d: {  	s14 =	simm.s32 @!p1 $0x3  }
0x1e: {  	s16 =	sadd.s32 $0x1, s12;
	_ =	swait.ge @!p1 [sflag:s14], $0x80  }
0x1f: {  	s13 =	smov.u32 s11;
	p0 =	por !p0, !p0;
	[sflag:s14] =	ssyncset.done @!p1 $0x0  }
0x20: {  	s12 =	smov.u32 s16;
	s11 =	smov.u32 s15;
	[sflag:s14] =	ssyncadd.s32 @!p1 $0xFFFFFF80  }
.LBB2_1:
0x21: {  	p1 =	sge.u32 s12, s8  }
0x22: {  	s14 =	sxor.u32 @!p1 $0xFFFFFFFF, s12  }
0x23: {  	s31 =	sadd.s32 $0xFFFFFFFF, s12;
	s15 =	sshrl.u32 @!p1 s11, $0x3;
	s14 =	sshll.u32 @!p1 s14, $0x7  }
0x24: {  	s16 =	sand.u32 @!p1 $0x7, s11;
	s15 =	sadd.s32 @!p1 s3, s15;
	s14 =	sand.u32 @!p1 $0x80, s14  }
0x25: {  	[tilespmem:s14], [sflag:$0x2] =	stream.linear.gather @!p1 [hbm4b:s15+s16], $0x80, $0x38;
	[tilespmem:$0x200] =	vst v63  }
0x26: {  	p1 =	sge.u32 s31, s8  }
.Ltmp2:
0x27: {  	_ = 	snop;
	(pc) =	sbr.rel @p1 .LBB2_5-.Ltmp2, $1  }
0x28: {  	_ =	sdelay $0x3  }
0x29: {  	s14 =	simm.s32 $0x1  }
0x2a: {  	_ =	swait.ge [sflag:s7], $0x80;
	s14 =	simm.s32 @!p0 $0x0  }
0x2b: {  	[sflag:s7] =	ssyncset.done $0x0;
	s14 =	sshll.u32 s14, $0x7  }
0x2c: {  	[sflag:s7] =	ssyncadd.s32 $0xFFFFFF80;
	(ifvalue) =	ssetifvalue $0x7FFFFFFF;
	v0 =	vld.msk [tilespmem:s14+$0x0 ss:$0x1], $0xffff;
	_ =	sdelay $0x4  }
0x2d: {  	s15 =	sadd.s32 $0x10, s14;
	vm1 =	vgt.s32 v0, $0x0  }
0x2e: {  	v2 =	vld.msk [tilespmem:s15+$0x0 ss:$0x1], $0xffff;
	v1 =	vnsel vm1, $0x0, v0  }
0x2f: {  	v1 =	vmin.u32 v1, $0x1FFF;
	_ =	sdelay $0x1  }
0x30: {  	s16 =	sshll.u32 s12, $0x7;
	s18 =	simm.s32 $0x20  }
0x31: {  	s16 =	sand.u32 $0x80, s16;
	s17 =	sadd.s32 $0x10, s15;
	s15 =	sor.u32 $0x100, s14  }
0x32: {  	s14 =	sor.u32 $0x100, s16;
	s16 =	sadd.s32 $0x10, s15;
	v0 =	vld.msk [tilespmem:s17+$0x0 ss:$0x1], $0xffff;
	vm1 =	vgt.s32 v2, $0x0;
	(ifvalue) =	ssetifvalue $0x7FFFFFFF  }
.LBB2_3:
0x33: {  	[tilespmem:s15], [sflag:$0x1] =	stream.indirect_vreg.gather [hbm4b:s2+s10], $0x1, v1, vm0, $0x4038;
	[tilespmem:$0x200] =	vst v63  }
0x34: {  	s18 =	sadd.s32 $0x10, s18  }
0x35: {  	v2 =	vnsel vm1, $0x0, v2;
	p1 =	slt.u32 s18, $0x70  }
.Ltmp3:
0x36: {  	s15 =	smov.u32 s16;
	v1 =	vmin.u32 v2, $0x1FFF;
	(pc) =	sbr.rel @p1 .LBB2_3-.Ltmp3, $3  }
0x37: {  	_ =	sdelay $0x1  }
0x38: {  	s17 =	sadd.s32 $0x10, s17  }
0x39: {  	vm1 =	vgt.s32 v0, $0x0;
	s16 =	sadd.s32 $0x10, s16;
	v2 =	vmov v0;
	(ifvalue) =	ssetifvalue $0x7FFFFFFF;
	v0 =	vld.msk [tilespmem:s17+$0x0 ss:$0x1], $0xffff  }
.Ltmp4:
0x3a: {  	_ = 	snop;
	(pc) =	sbr.rel .LBB2_4-.Ltmp4, $1  }
0x3b: {  	_ =	sdelay $0x3  }
.LBB2_6:
0x3c: {  	_ =	sfence.sel $0x180000  }
0x3d: {  	s2 =	simm.s32 $0x2;
	[bflag:$0x0] =	sbarrier.arrive $0xFFFF  }
0x3e: {  	s30 =	simm.s32 $0x3;
	[sflag:s2] =	ssyncpa.u1 $0x1  }
0x3f: {  	s31 =	simm.s32 $0x1;
	[sflag:s30] =	ssyncpa.u1 $0x1  }
0x40: {  	[sflag:s31] =	ssyncpa.u1 $0x1  }
0x41: {  	p0 =	sne.s32 s0, $0x0;
	_ =	strace $0x90000047  }
0x42: {  	s0 =	sadd.s32 @!p0 $0x100000, s1;
	[bflag:$0x2] =	sbarrier.arrive $0xFFFF  }
0x43: {  	[sflag:s0] =	ssyncadd.tile.s32 @!p0 $0x1;
	_ =	shalt  }
.Lfunc_end2:
_tile_overlayer_lowered:
.L_overlay_start_2:
0x44: {  	(tag) =	ssettag $0x2  }
0x45: {  	s0 =	rddreg [dreg:$0x0];
	s2 =	stileid.u32  }
0x46: {  	s1 =	rddreg [dreg:$0x1];
	p0 =	sne.s32 s2, $0x0  }
0x47: {  	s3 =	rddreg [dreg:$0x2];
	[bflag:$0x3] =	sbarrier.arrive $0xFFFF;
	s2 =	simm.s32 @!p0 $0x1C01  }
0x48: {  	[timem:s3], [sflag:s2] =	dma.local @!p0 [hbm:s0], s1  }
0x49: {  	s0 =	simm.s32 @!p0 $0x1  }
0x4a: {  	_ =	swait.ge @!p0 [sflag:s0], s1  }
0x4b: {  	s1 =	ssub.s32 @!p0 $0x0, s1;
	[sflag:s0] =	ssyncset.done @!p0 $0x0  }
0x4c: {  	[sflag:s0] =	ssyncadd.s32 @!p0 s1  }
0x4d: {  	[bflag:$0x3] =	sbarrier.arrive $0xFFFF  }
0x4e: {  	_ =	shalt  }

</sc_bundles>
